<compile_context>
chip_gen: v7x
topology: tpu7x:2x2x1
jax: 0.10.2.dev20260603
libtpu: 0.0.44.dev20260713+nightly
codegen_flags: <defaults>
</compile_context>

<pallas_src>
import functools

import jax
import jax.numpy as jnp
from jax import lax
from jax.experimental import pallas as pl
from jax.experimental.pallas import tpu as pltpu
from jax.experimental.pallas import tpu_sc as plsc

E = 800000
D = 64
NUM_ROWS = 5

NC = 2
NS = 16
NW = NC * NS

CHUNK = 200
SUBS = [(0, 128), (128, 72)]
NBUF = 2
ROWS_PER_W = E // NW
CHUNKS_PER_W = ROWS_PER_W // CHUNK


def _embed_body(idx_hbm, table_hbm, out_hbm, table_sh,
                idx0, idx1, rows0, rows1, gsem0, gsem1, ssem0, ssem1):
    cid = lax.axis_index("c")
    sid = lax.axis_index("s")
    wid = cid * NS + sid
    out_base = wid * ROWS_PER_W

    @pl.when(sid == 0)
    def _():
        pltpu.sync_copy(table_hbm, table_sh)

    plsc.subcore_barrier()

    idx_bufs = (idx0, idx1)
    rows_bufs = (rows0, rows1)
    gsems = (gsem0, gsem1)
    ssems = (ssem0, ssem1)

    def fire_gathers(c, b):
        rbase = out_base + c * CHUNK
        pltpu.sync_copy(idx_hbm.at[pl.ds(rbase, CHUNK)], idx_bufs[b])
        handles = []
        for (off, ln) in SUBS:
            handles.append(pltpu.async_copy(
                table_sh.at[idx_bufs[b].at[pl.ds(off, ln)]],
                rows_bufs[b].at[pl.ds(off, ln)],
                gsems[b],
            ))
        return handles

    def fire_store(c, b):
        obase = out_base + c * CHUNK
        pltpu.async_copy(rows_bufs[b], out_hbm.at[pl.ds(obase, CHUNK)],
                         ssems[b])

    def wait_store(c, b):
        obase = out_base + c * CHUNK
        pltpu.make_async_copy(
            rows_bufs[b], out_hbm.at[pl.ds(obase, CHUNK)], ssems[b]
        ).wait()

    def outer_body(i, carry):
        all_handles = []
        for b in range(NBUF):
            c = i * NBUF + b

            @pl.when(i > 0)
            def _():
                wait_store(c, b)

            all_handles.append(fire_gathers(c, b))
        for b in range(NBUF):
            c = i * NBUF + b
            for h in all_handles[b]:
                h.wait()
            fire_store(c, b)
        return carry

    n_outer = CHUNKS_PER_W // NBUF
    lax.fori_loop(0, n_outer, outer_body, 0)
    for b in range(NBUF):
        c = (n_outer - 1) * NBUF + b
        wait_store(c, b)
    for c in range(n_outer * NBUF, CHUNKS_PER_W):
        handles = fire_gathers(c, 0)
        for h in handles:
            h.wait()
        fire_store(c, 0)
        wait_store(c, 0)


def kernel(bond_types, table):
    idx1d = bond_types
    table2 = jnp.concatenate([table, table], axis=1)
    mesh = plsc.VectorSubcoreMesh(core_axis_name="c", subcore_axis_name="s")
    kern = functools.partial(
        pl.kernel,
        out_type=jax.ShapeDtypeStruct((E, 2 * D), jnp.float32),
        mesh=mesh,
        scratch_types=[
            pltpu.VMEM_SHARED((NUM_ROWS, 2 * D), jnp.float32),
            pltpu.VMEM((CHUNK,), jnp.int32),
            pltpu.VMEM((CHUNK,), jnp.int32),
            pltpu.VMEM((CHUNK, 2 * D), jnp.float32),
            pltpu.VMEM((CHUNK, 2 * D), jnp.float32),
            pltpu.SemaphoreType.DMA,
            pltpu.SemaphoreType.DMA,
            pltpu.SemaphoreType.DMA,
            pltpu.SemaphoreType.DMA,
        ],
        compiler_params=pltpu.CompilerParams(use_tc_tiling_on_sc=True),
    )(_embed_body)
    return kern(idx1d, table2)[:, :D]

# --- scband reference (transcript-rebuilt; emitter-appended) ---
"""Pipeline reference for scband-bond-embedding-91199335563790 (READ-ONLY COPY).

The authoritative reference and input builder live on the scoring server;
editing this copy changes nothing except your own understanding.
"""

import jax, jax.numpy as jnp
import numpy as np

NUM_BOND_TYPES = 5
D_MODEL = 64
E = 800000

def setup_inputs(seed: int = 0) -> dict:
    key = jax.random.key(seed)
    k1, k2 = jax.random.split(key)
    bond_types = jax.random.randint(k1, (E,), 0, NUM_BOND_TYPES, dtype=jnp.int64 if jax.config.read('jax_enable_x64') else jnp.int32)
    table = jax.random.normal(k2, (NUM_BOND_TYPES, D_MODEL), dtype=jnp.float32)
    return {"bond_types": bond_types, "table": table}

def reference(bond_types, table):
    # nn.Embedding(len(BOND_TYPES), d_model)(bond_types)
    return jnp.take(table, bond_types, axis=0)

if __name__ == "__main__":
    import jax
    _d = setup_inputs()
    print(jax.jit(kernel)(*tuple(_d.values())))

</pallas_src>

<mosaic_0001>
#map = affine_map<(d0, d1) -> (0)>
#map1 = affine_map<(d0, d1) -> (0, 0)>
module attributes {stable_mosaic.version = 14 : i64} {
  func.func @_embed_body(%arg0: i32, %arg1: i32, %arg2: memref<800000xi32, #tpu.memory_space<hbm>>, %arg3: memref<5x128xf32, #tpu.memory_space<hbm>>, %arg4: memref<800000x128xf32, #tpu.memory_space<hbm>>, %arg5: memref<5x128xf32, #tpu.memory_space<vmem_shared>>, %arg6: memref<200xi32, #tpu.memory_space<vmem>>, %arg7: memref<200xi32, #tpu.memory_space<vmem>>, %arg8: memref<200x128xf32, #tpu.memory_space<vmem>>, %arg9: memref<200x128xf32, #tpu.memory_space<vmem>>, %arg10: memref<!tpu.dma_semaphore, #tpu.memory_space<semaphore_mem>>, %arg11: memref<!tpu.dma_semaphore, #tpu.memory_space<semaphore_mem>>, %arg12: memref<!tpu.dma_semaphore, #tpu.memory_space<semaphore_mem>>, %arg13: memref<!tpu.dma_semaphore, #tpu.memory_space<semaphore_mem>>) attributes {dimension_semantics = [#tpu.dimension_semantics<core_parallel>, #tpu.dimension_semantics<subcore_parallel>], iteration_bounds = array<i64: 2, 16>, scalar_prefetch = 0 : i64, scratch_operands = 9 : i64, tpu.core_type = #tpu.core_type<sc_vector_subcore>, window_params = [{transform_indices = #map}, {transform_indices = #map1}, {transform_indices = #map1}]} {
    %mul3A = arith.constant 16 : i32
    %mul3A_0 = arith.muli %arg0, %mul3A : i32
    %add3A = arith.addi %mul3A_0, %arg1 : i32
    %mul3A_1 = arith.constant 25000 : i32
    %mul3A_2 = arith.muli %add3A, %mul3A_1 : i32
    %eq3A = arith.constant 0 : i32
    %eq3A_3 = arith.cmpi eq, %arg1, %eq3A : i32
    %convert_element_type3A = arith.extui %eq3A_3 : i1 to i32
    %cond3A = arith.constant 0 : i32
    %cond3A_4 = arith.cmpi ne, %convert_element_type3A, %cond3A : i32
    scf.if %cond3A_4 {
      "tpu.region"() ({
        %run_scoped3A = tpu.sem_alloc : memref<!tpu.dma_semaphore, #tpu.memory_space<semaphore_mem>>
        tpu.enqueue_dma source(%arg3 : memref<5x128xf32, #tpu.memory_space<hbm>>) target(%arg5 : memref<5x128xf32, #tpu.memory_space<vmem_shared>>) target_semaphore(%run_scoped3A : memref<!tpu.dma_semaphore, #tpu.memory_space<semaphore_mem>>)
        tpu.wait_dma2 semaphore(%run_scoped3A : memref<!tpu.dma_semaphore, #tpu.memory_space<semaphore_mem>>) src(%arg3 : memref<5x128xf32, #tpu.memory_space<hbm>>) dst(%arg5 : memref<5x128xf32, #tpu.memory_space<vmem_shared>>)
        tpu.yield
      }) : () -> ()
    } else {
    }
    %barrier3A = arith.constant 0 : index
    tpu.barrier barrier_id(%barrier3A)
    %scan3A = arith.constant 0 : i32
    %scan3A_5 = arith.constant 0 : i32
    %scan3A_6 = arith.constant 62 : i32
    %scan3A_7 = arith.addi %scan3A_5, %scan3A_6 : i32
    %scan3A_8 = arith.constant 1 : i32
    scf.for %scan3A_66 = %scan3A_5 to %scan3A_7 step %scan3A_8  : i32 {
      %mul3A_67 = arith.constant 2 : i32
      %mul3A_68 = arith.muli %scan3A_66, %mul3A_67 : i32
      %add3A_69 = arith.constant 0 : i32
      %add3A_70 = arith.addi %mul3A_68, %add3A_69 : i32
      %gt3A = arith.constant 0 : i32
      %gt3A_71 = arith.cmpi sgt, %scan3A_66, %gt3A : i32
      %convert_element_type3A_72 = arith.extui %gt3A_71 : i1 to i32
      %cond3A_73 = arith.constant 0 : i32
      %cond3A_74 = arith.cmpi ne, %convert_element_type3A_72, %cond3A_73 : i32
      scf.if %cond3A_74 {
        %mul3A_176 = arith.constant 200 : i32
        %mul3A_177 = arith.muli %add3A_70, %mul3A_176 : i32
        %add3A_178 = arith.addi %mul3A_2, %mul3A_177 : i32
        %dma_wait3A_179 = arith.constant 0 : i32
        %dma_wait3A_180 = tpu.memref_slice %arg4[%add3A_178, %dma_wait3A_179] : memref<800000x128xf32, #tpu.memory_space<hbm>> -> memref<200x128xf32, #tpu.memory_space<hbm>>
        %dma_wait3A_181 = arith.constant 0 : i32
        %dma_wait3A_182 = tpu.memref_slice %arg4[%add3A_178, %dma_wait3A_181] : memref<800000x128xf32, #tpu.memory_space<hbm>> -> memref<200x128xf32, #tpu.memory_space<hbm>>
        tpu.wait_dma2 semaphore(%arg12 : memref<!tpu.dma_semaphore, #tpu.memory_space<semaphore_mem>>) src(%arg8 : memref<200x128xf32, #tpu.memory_space<vmem>>) dst(%dma_wait3A_182 : memref<200x128xf32, #tpu.memory_space<hbm>>)
      } else {
      }
      %mul3A_75 = arith.constant 200 : i32
      %mul3A_76 = arith.muli %add3A_70, %mul3A_75 : i32
      %add3A_77 = arith.addi %mul3A_2, %mul3A_76 : i32
      "tpu.region"() ({
        %run_scoped3A = tpu.sem_alloc : memref<!tpu.dma_semaphore, #tpu.memory_space<semaphore_mem>>
        %dma_start3A_176 = tpu.memref_slice %arg2[%add3A_77] : memref<800000xi32, #tpu.memory_space<hbm>> -> memref<200xi32, #tpu.memory_space<hbm>>
        %dma_start3A_177 = tpu.memref_slice %arg2[%add3A_77] : memref<800000xi32, #tpu.memory_space<hbm>> -> memref<200xi32, #tpu.memory_space<hbm>>
        tpu.enqueue_dma source(%dma_start3A_177 : memref<200xi32, #tpu.memory_space<hbm>>) target(%arg6 : memref<200xi32, #tpu.memory_space<vmem>>) target_semaphore(%run_scoped3A : memref<!tpu.dma_semaphore, #tpu.memory_space<semaphore_mem>>)
        %dma_wait3A_178 = tpu.memref_slice %arg2[%add3A_77] : memref<800000xi32, #tpu.memory_space<hbm>> -> memref<200xi32, #tpu.memory_space<hbm>>
        %dma_wait3A_179 = tpu.memref_slice %arg2[%add3A_77] : memref<800000xi32, #tpu.memory_space<hbm>> -> memref<200xi32, #tpu.memory_space<hbm>>
        tpu.wait_dma2 semaphore(%run_scoped3A : memref<!tpu.dma_semaphore, #tpu.memory_space<semaphore_mem>>) src(%dma_wait3A_179 : memref<200xi32, #tpu.memory_space<hbm>>) dst(%arg6 : memref<200xi32, #tpu.memory_space<vmem>>)
        tpu.yield
      }) : () -> ()
      %dma_start3A_78 = arith.constant 0 : i32
      %dma_start3A_79 = arith.constant 0 : i32
      %dma_start3A_80 = tpu.memref_slice %arg8[%dma_start3A_78, %dma_start3A_79] : memref<200x128xf32, #tpu.memory_space<vmem>> -> memref<128x128xf32, #tpu.memory_space<vmem>>
      %dma_start3A_81 = arith.constant 0 : i32
      %dma_start3A_82 = tpu.memref_slice %arg6[%dma_start3A_81] : memref<200xi32, #tpu.memory_space<vmem>> -> memref<128xi32, #tpu.memory_space<vmem>>
      %dma_start3A_83 = arith.constant 0 : i32
      %dma_start3A_84 = arith.constant 0 : i32
      %dma_start3A_85 = tpu.memref_slice %arg5[%dma_start3A_83, %dma_start3A_84] : memref<5x128xf32, #tpu.memory_space<vmem_shared>> -> memref<5x128xf32, #tpu.memory_space<vmem_shared>>
      tpu.enqueue_indirect_dma source(%dma_start3A_85 : memref<5x128xf32, #tpu.memory_space<vmem_shared>>) target(%dma_start3A_80 : memref<128x128xf32, #tpu.memory_space<vmem>>) offsets(%dma_start3A_82 : memref<128xi32, #tpu.memory_space<vmem>>) semaphore(%arg10 : memref<!tpu.dma_semaphore, #tpu.memory_space<semaphore_mem>>)
      %dma_start3A_86 = arith.constant 128 : i32
      %dma_start3A_87 = arith.constant 0 : i32
      %dma_start3A_88 = tpu.memref_slice %arg8[%dma_start3A_86, %dma_start3A_87] : memref<200x128xf32, #tpu.memory_space<vmem>> -> memref<72x128xf32, #tpu.memory_space<vmem>>
      %dma_start3A_89 = arith.constant 128 : i32
      %dma_start3A_90 = tpu.memref_slice %arg6[%dma_start3A_89] : memref<200xi32, #tpu.memory_space<vmem>> -> memref<72xi32, #tpu.memory_space<vmem>>
      %dma_start3A_91 = arith.constant 0 : i32
      %dma_start3A_92 = arith.constant 0 : i32
      %dma_start3A_93 = tpu.memref_slice %arg5[%dma_start3A_91, %dma_start3A_92] : memref<5x128xf32, #tpu.memory_space<vmem_shared>> -> memref<5x128xf32, #tpu.memory_space<vmem_shared>>
      tpu.enqueue_indirect_dma source(%dma_start3A_93 : memref<5x128xf32, #tpu.memory_space<vmem_shared>>) target(%dma_start3A_88 : memref<72x128xf32, #tpu.memory_space<vmem>>) offsets(%dma_start3A_90 : memref<72xi32, #tpu.memory_space<vmem>>) semaphore(%arg10 : memref<!tpu.dma_semaphore, #tpu.memory_space<semaphore_mem>>)
      %mul3A_94 = arith.constant 2 : i32
      %mul3A_95 = arith.muli %scan3A_66, %mul3A_94 : i32
      %add3A_96 = arith.constant 1 : i32
      %add3A_97 = arith.addi %mul3A_95, %add3A_96 : i32
      %gt3A_98 = arith.constant 0 : i32
      %gt3A_99 = arith.cmpi sgt, %scan3A_66, %gt3A_98 : i32
      %convert_element_type3A_100 = arith.extui %gt3A_99 : i1 to i32
      %cond3A_101 = arith.constant 0 : i32
      %cond3A_102 = arith.cmpi ne, %convert_element_type3A_100, %cond3A_101 : i32
      scf.if %cond3A_102 {
        %mul3A_176 = arith.constant 200 : i32
        %mul3A_177 = arith.muli %add3A_97, %mul3A_176 : i32
        %add3A_178 = arith.addi %mul3A_2, %mul3A_177 : i32
        %dma_wait3A_179 = arith.constant 0 : i32
        %dma_wait3A_180 = tpu.memref_slice %arg4[%add3A_178, %dma_wait3A_179] : memref<800000x128xf32, #tpu.memory_space<hbm>> -> memref<200x128xf32, #tpu.memory_space<hbm>>
        %dma_wait3A_181 = arith.constant 0 : i32
        %dma_wait3A_182 = tpu.memref_slice %arg4[%add3A_178, %dma_wait3A_181] : memref<800000x128xf32, #tpu.memory_space<hbm>> -> memref<200x128xf32, #tpu.memory_space<hbm>>
        tpu.wait_dma2 semaphore(%arg13 : memref<!tpu.dma_semaphore, #tpu.memory_space<semaphore_mem>>) src(%arg9 : memref<200x128xf32, #tpu.memory_space<vmem>>) dst(%dma_wait3A_182 : memref<200x128xf32, #tpu.memory_space<hbm>>)
      } else {
      }
      %mul3A_103 = arith.constant 200 : i32
      %mul3A_104 = arith.muli %add3A_97, %mul3A_103 : i32
      %add3A_105 = arith.addi %mul3A_2, %mul3A_104 : i32
      "tpu.region"() ({
        %run_scoped3A = tpu.sem_alloc : memref<!tpu.dma_semaphore, #tpu.memory_space<semaphore_mem>>
        %dma_start3A_176 = tpu.memref_slice %arg2[%add3A_105] : memref<800000xi32, #tpu.memory_space<hbm>> -> memref<200xi32, #tpu.memory_space<hbm>>
        %dma_start3A_177 = tpu.memref_slice %arg2[%add3A_105] : memref<800000xi32, #tpu.memory_space<hbm>> -> memref<200xi32, #tpu.memory_space<hbm>>
        tpu.enqueue_dma source(%dma_start3A_177 : memref<200xi32, #tpu.memory_space<hbm>>) target(%arg7 : memref<200xi32, #tpu.memory_space<vmem>>) target_semaphore(%run_scoped3A : memref<!tpu.dma_semaphore, #tpu.memory_space<semaphore_mem>>)
        %dma_wait3A_178 = tpu.memref_slice %arg2[%add3A_105] : memref<800000xi32, #tpu.memory_space<hbm>> -> memref<200xi32, #tpu.memory_space<hbm>>
        %dma_wait3A_179 = tpu.memref_slice %arg2[%add3A_105] : memref<800000xi32, #tpu.memory_space<hbm>> -> memref<200xi32, #tpu.memory_space<hbm>>
        tpu.wait_dma2 semaphore(%run_scoped3A : memref<!tpu.dma_semaphore, #tpu.memory_space<semaphore_mem>>) src(%dma_wait3A_179 : memref<200xi32, #tpu.memory_space<hbm>>) dst(%arg7 : memref<200xi32, #tpu.memory_space<vmem>>)
        tpu.yield
      }) : () -> ()
      %dma_start3A_106 = arith.constant 0 : i32
      %dma_start3A_107 = arith.constant 0 : i32
      %dma_start3A_108 = tpu.memref_slice %arg9[%dma_start3A_106, %dma_start3A_107] : memref<200x128xf32, #tpu.memory_space<vmem>> -> memref<128x128xf32, #tpu.memory_space<vmem>>
      %dma_start3A_109 = arith.constant 0 : i32
      %dma_start3A_110 = tpu.memref_slice %arg7[%dma_start3A_109] : memref<200xi32, #tpu.memory_space<vmem>> -> memref<128xi32, #tpu.memory_space<vmem>>
      %dma_start3A_111 = arith.constant 0 : i32
      %dma_start3A_112 = arith.constant 0 : i32
      %dma_start3A_113 = tpu.memref_slice %arg5[%dma_start3A_111, %dma_start3A_112] : memref<5x128xf32, #tpu.memory_space<vmem_shared>> -> memref<5x128xf32, #tpu.memory_space<vmem_shared>>
      tpu.enqueue_indirect_dma source(%dma_start3A_113 : memref<5x128xf32, #tpu.memory_space<vmem_shared>>) target(%dma_start3A_108 : memref<128x128xf32, #tpu.memory_space<vmem>>) offsets(%dma_start3A_110 : memref<128xi32, #tpu.memory_space<vmem>>) semaphore(%arg11 : memref<!tpu.dma_semaphore, #tpu.memory_space<semaphore_mem>>)
      %dma_start3A_114 = arith.constant 128 : i32
      %dma_start3A_115 = arith.constant 0 : i32
      %dma_start3A_116 = tpu.memref_slice %arg9[%dma_start3A_114, %dma_start3A_115] : memref<200x128xf32, #tpu.memory_space<vmem>> -> memref<72x128xf32, #tpu.memory_space<vmem>>
      %dma_start3A_117 = arith.constant 128 : i32
      %dma_start3A_118 = tpu.memref_slice %arg7[%dma_start3A_117] : memref<200xi32, #tpu.memory_space<vmem>> -> memref<72xi32, #tpu.memory_space<vmem>>
      %dma_start3A_119 = arith.constant 0 : i32
      %dma_start3A_120 = arith.constant 0 : i32
      %dma_start3A_121 = tpu.memref_slice %arg5[%dma_start3A_119, %dma_start3A_120] : memref<5x128xf32, #tpu.memory_space<vmem_shared>> -> memref<5x128xf32, #tpu.memory_space<vmem_shared>>
      tpu.enqueue_indirect_dma source(%dma_start3A_121 : memref<5x128xf32, #tpu.memory_space<vmem_shared>>) target(%dma_start3A_116 : memref<72x128xf32, #tpu.memory_space<vmem>>) offsets(%dma_start3A_118 : memref<72xi32, #tpu.memory_space<vmem>>) semaphore(%arg11 : memref<!tpu.dma_semaphore, #tpu.memory_space<semaphore_mem>>)
      %mul3A_122 = arith.constant 2 : i32
      %mul3A_123 = arith.muli %scan3A_66, %mul3A_122 : i32
      %add3A_124 = arith.constant 0 : i32
      %add3A_125 = arith.addi %mul3A_123, %add3A_124 : i32
      %dma_wait3A_126 = arith.constant 0 : i32
      %dma_wait3A_127 = arith.constant 0 : i32
      %dma_wait3A_128 = tpu.memref_slice %arg8[%dma_wait3A_126, %dma_wait3A_127] : memref<200x128xf32, #tpu.memory_space<vmem>> -> memref<128x128xf32, #tpu.memory_space<vmem>>
      %dma_wait3A_129 = arith.constant 0 : i32
      %dma_wait3A_130 = tpu.memref_slice %arg6[%dma_wait3A_129] : memref<200xi32, #tpu.memory_space<vmem>> -> memref<128xi32, #tpu.memory_space<vmem>>
      %dma_wait3A_131 = arith.constant 0 : i32
      %dma_wait3A_132 = arith.constant 0 : i32
      %dma_wait3A_133 = tpu.memref_slice %arg5[%dma_wait3A_131, %dma_wait3A_132] : memref<5x128xf32, #tpu.memory_space<vmem_shared>> -> memref<5x128xf32, #tpu.memory_space<vmem_shared>>
      tpu.wait_indirect_dma semaphore(%arg10 : memref<!tpu.dma_semaphore, #tpu.memory_space<semaphore_mem>>) src(%dma_wait3A_133 : memref<5x128xf32, #tpu.memory_space<vmem_shared>>) dst(%dma_wait3A_128 : memref<128x128xf32, #tpu.memory_space<vmem>>)
      %dma_wait3A_134 = arith.constant 128 : i32
      %dma_wait3A_135 = arith.constant 0 : i32
      %dma_wait3A_136 = tpu.memref_slice %arg8[%dma_wait3A_134, %dma_wait3A_135] : memref<200x128xf32, #tpu.memory_space<vmem>> -> memref<72x128xf32, #tpu.memory_space<vmem>>
      %dma_wait3A_137 = arith.constant 128 : i32
      %dma_wait3A_138 = tpu.memref_slice %arg6[%dma_wait3A_137] : memref<200xi32, #tpu.memory_space<vmem>> -> memref<72xi32, #tpu.memory_space<vmem>>
      %dma_wait3A_139 = arith.constant 0 : i32
      %dma_wait3A_140 = arith.constant 0 : i32
      %dma_wait3A_141 = tpu.memref_slice %arg5[%dma_wait3A_139, %dma_wait3A_140] : memref<5x128xf32, #tpu.memory_space<vmem_shared>> -> memref<5x128xf32, #tpu.memory_space<vmem_shared>>
      tpu.wait_indirect_dma semaphore(%arg10 : memref<!tpu.dma_semaphore, #tpu.memory_space<semaphore_mem>>) src(%dma_wait3A_141 : memref<5x128xf32, #tpu.memory_space<vmem_shared>>) dst(%dma_wait3A_136 : memref<72x128xf32, #tpu.memory_space<vmem>>)
      %mul3A_142 = arith.constant 200 : i32
      %mul3A_143 = arith.muli %add3A_125, %mul3A_142 : i32
      %add3A_144 = arith.addi %mul3A_2, %mul3A_143 : i32
      %dma_start3A_145 = arith.constant 0 : i32
      %dma_start3A_146 = tpu.memref_slice %arg4[%add3A_144, %dma_start3A_145] : memref<800000x128xf32, #tpu.memory_space<hbm>> -> memref<200x128xf32, #tpu.memory_space<hbm>>
      %dma_start3A_147 = arith.constant 0 : i32
      %dma_start3A_148 = tpu.memref_slice %arg4[%add3A_144, %dma_start3A_147] : memref<800000x128xf32, #tpu.memory_space<hbm>> -> memref<200x128xf32, #tpu.memory_space<hbm>>
      tpu.enqueue_dma source(%arg8 : memref<200x128xf32, #tpu.memory_space<vmem>>) target(%dma_start3A_148 : memref<200x128xf32, #tpu.memory_space<hbm>>) target_semaphore(%arg12 : memref<!tpu.dma_semaphore, #tpu.memory_space<semaphore_mem>>)
      %mul3A_149 = arith.constant 2 : i32
      %mul3A_150 = arith.muli %scan3A_66, %mul3A_149 : i32
      %add3A_151 = arith.constant 1 : i32
      %add3A_152 = arith.addi %mul3A_150, %add3A_151 : i32
      %dma_wait3A_153 = arith.constant 0 : i32
      %dma_wait3A_154 = arith.constant 0 : i32
      %dma_wait3A_155 = tpu.memref_slice %arg9[%dma_wait3A_153, %dma_wait3A_154] : memref<200x128xf32, #tpu.memory_space<vmem>> -> memref<128x128xf32, #tpu.memory_space<vmem>>
      %dma_wait3A_156 = arith.constant 0 : i32
      %dma_wait3A_157 = tpu.memref_slice %arg7[%dma_wait3A_156] : memref<200xi32, #tpu.memory_space<vmem>> -> memref<128xi32, #tpu.memory_space<vmem>>
      %dma_wait3A_158 = arith.constant 0 : i32
      %dma_wait3A_159 = arith.constant 0 : i32
      %dma_wait3A_160 = tpu.memref_slice %arg5[%dma_wait3A_158, %dma_wait3A_159] : memref<5x128xf32, #tpu.memory_space<vmem_shared>> -> memref<5x128xf32, #tpu.memory_space<vmem_shared>>
      tpu.wait_indirect_dma semaphore(%arg11 : memref<!tpu.dma_semaphore, #tpu.memory_space<semaphore_mem>>) src(%dma_wait3A_160 : memref<5x128xf32, #tpu.memory_space<vmem_shared>>) dst(%dma_wait3A_155 : memref<128x128xf32, #tpu.memory_space<vmem>>)
      %dma_wait3A_161 = arith.constant 128 : i32
      %dma_wait3A_162 = arith.constant 0 : i32
      %dma_wait3A_163 = tpu.memref_slice %arg9[%dma_wait3A_161, %dma_wait3A_162] : memref<200x128xf32, #tpu.memory_space<vmem>> -> memref<72x128xf32, #tpu.memory_space<vmem>>
      %dma_wait3A_164 = arith.constant 128 : i32
      %dma_wait3A_165 = tpu.memref_slice %arg7[%dma_wait3A_164] : memref<200xi32, #tpu.memory_space<vmem>> -> memref<72xi32, #tpu.memory_space<vmem>>
      %dma_wait3A_166 = arith.constant 0 : i32
      %dma_wait3A_167 = arith.constant 0 : i32
      %dma_wait3A_168 = tpu.memref_slice %arg5[%dma_wait3A_166, %dma_wait3A_167] : memref<5x128xf32, #tpu.memory_space<vmem_shared>> -> memref<5x128xf32, #tpu.memory_space<vmem_shared>>
      tpu.wait_indirect_dma semaphore(%arg11 : memref<!tpu.dma_semaphore, #tpu.memory_space<semaphore_mem>>) src(%dma_wait3A_168 : memref<5x128xf32, #tpu.memory_space<vmem_shared>>) dst(%dma_wait3A_163 : memref<72x128xf32, #tpu.memory_space<vmem>>)
      %mul3A_169 = arith.constant 200 : i32
      %mul3A_170 = arith.muli %add3A_152, %mul3A_169 : i32
      %add3A_171 = arith.addi %mul3A_2, %mul3A_170 : i32
      %dma_start3A_172 = arith.constant 0 : i32
      %dma_start3A_173 = tpu.memref_slice %arg4[%add3A_171, %dma_start3A_172] : memref<800000x128xf32, #tpu.memory_space<hbm>> -> memref<200x128xf32, #tpu.memory_space<hbm>>
      %dma_start3A_174 = arith.constant 0 : i32
      %dma_start3A_175 = tpu.memref_slice %arg4[%add3A_171, %dma_start3A_174] : memref<800000x128xf32, #tpu.memory_space<hbm>> -> memref<200x128xf32, #tpu.memory_space<hbm>>
      tpu.enqueue_dma source(%arg9 : memref<200x128xf32, #tpu.memory_space<vmem>>) target(%dma_start3A_175 : memref<200x128xf32, #tpu.memory_space<hbm>>) target_semaphore(%arg13 : memref<!tpu.dma_semaphore, #tpu.memory_space<semaphore_mem>>)
    }
    %scan3A_9 = arith.constant 62 : i32
    %add3A_10 = arith.constant 24400 : i32
    %add3A_11 = arith.addi %mul3A_2, %add3A_10 : i32
    %dma_wait3A = arith.constant 0 : i32
    %dma_wait3A_12 = tpu.memref_slice %arg4[%add3A_11, %dma_wait3A] : memref<800000x128xf32, #tpu.memory_space<hbm>> -> memref<200x128xf32, #tpu.memory_space<hbm>>
    %dma_wait3A_13 = arith.constant 0 : i32
    %dma_wait3A_14 = tpu.memref_slice %arg4[%add3A_11, %dma_wait3A_13] : memref<800000x128xf32, #tpu.memory_space<hbm>> -> memref<200x128xf32, #tpu.memory_space<hbm>>
    tpu.wait_dma2 semaphore(%arg12 : memref<!tpu.dma_semaphore, #tpu.memory_space<semaphore_mem>>) src(%arg8 : memref<200x128xf32, #tpu.memory_space<vmem>>) dst(%dma_wait3A_14 : memref<200x128xf32, #tpu.memory_space<hbm>>)
    %add3A_15 = arith.constant 24600 : i32
    %add3A_16 = arith.addi %mul3A_2, %add3A_15 : i32
    %dma_wait3A_17 = arith.constant 0 : i32
    %dma_wait3A_18 = tpu.memref_slice %arg4[%add3A_16, %dma_wait3A_17] : memref<800000x128xf32, #tpu.memory_space<hbm>> -> memref<200x128xf32, #tpu.memory_space<hbm>>
    %dma_wait3A_19 = arith.constant 0 : i32
    %dma_wait3A_20 = tpu.memref_slice %arg4[%add3A_16, %dma_wait3A_19] : memref<800000x128xf32, #tpu.memory_space<hbm>> -> memref<200x128xf32, #tpu.memory_space<hbm>>
    tpu.wait_dma2 semaphore(%arg13 : memref<!tpu.dma_semaphore, #tpu.memory_space<semaphore_mem>>) src(%arg9 : memref<200x128xf32, #tpu.memory_space<vmem>>) dst(%dma_wait3A_20 : memref<200x128xf32, #tpu.memory_space<hbm>>)
    %add3A_21 = arith.constant 24800 : i32
    %add3A_22 = arith.addi %mul3A_2, %add3A_21 : i32
    "tpu.region"() ({
      %run_scoped3A = tpu.sem_alloc : memref<!tpu.dma_semaphore, #tpu.memory_space<semaphore_mem>>
      %dma_start3A_66 = tpu.memref_slice %arg2[%add3A_22] : memref<800000xi32, #tpu.memory_space<hbm>> -> memref<200xi32, #tpu.memory_space<hbm>>
      %dma_start3A_67 = tpu.memref_slice %arg2[%add3A_22] : memref<800000xi32, #tpu.memory_space<hbm>> -> memref<200xi32, #tpu.memory_space<hbm>>
      tpu.enqueue_dma source(%dma_start3A_67 : memref<200xi32, #tpu.memory_space<hbm>>) target(%arg6 : memref<200xi32, #tpu.memory_space<vmem>>) target_semaphore(%run_scoped3A : memref<!tpu.dma_semaphore, #tpu.memory_space<semaphore_mem>>)
      %dma_wait3A_68 = tpu.memref_slice %arg2[%add3A_22] : memref<800000xi32, #tpu.memory_space<hbm>> -> memref<200xi32, #tpu.memory_space<hbm>>
      %dma_wait3A_69 = tpu.memref_slice %arg2[%add3A_22] : memref<800000xi32, #tpu.memory_space<hbm>> -> memref<200xi32, #tpu.memory_space<hbm>>
      tpu.wait_dma2 semaphore(%run_scoped3A : memref<!tpu.dma_semaphore, #tpu.memory_space<semaphore_mem>>) src(%dma_wait3A_69 : memref<200xi32, #tpu.memory_space<hbm>>) dst(%arg6 : memref<200xi32, #tpu.memory_space<vmem>>)
      tpu.yield
    }) : () -> ()
    %dma_start3A = arith.constant 0 : i32
    %dma_start3A_23 = arith.constant 0 : i32
    %dma_start3A_24 = tpu.memref_slice %arg8[%dma_start3A, %dma_start3A_23] : memref<200x128xf32, #tpu.memory_space<vmem>> -> memref<128x128xf32, #tpu.memory_space<vmem>>
    %dma_start3A_25 = arith.constant 0 : i32
    %dma_start3A_26 = tpu.memref_slice %arg6[%dma_start3A_25] : memref<200xi32, #tpu.memory_space<vmem>> -> memref<128xi32, #tpu.memory_space<vmem>>
    %dma_start3A_27 = arith.constant 0 : i32
    %dma_start3A_28 = arith.constant 0 : i32
    %dma_start3A_29 = tpu.memref_slice %arg5[%dma_start3A_27, %dma_start3A_28] : memref<5x128xf32, #tpu.memory_space<vmem_shared>> -> memref<5x128xf32, #tpu.memory_space<vmem_shared>>
    tpu.enqueue_indirect_dma source(%dma_start3A_29 : memref<5x128xf32, #tpu.memory_space<vmem_shared>>) target(%dma_start3A_24 : memref<128x128xf32, #tpu.memory_space<vmem>>) offsets(%dma_start3A_26 : memref<128xi32, #tpu.memory_space<vmem>>) semaphore(%arg10 : memref<!tpu.dma_semaphore, #tpu.memory_space<semaphore_mem>>)
    %dma_start3A_30 = arith.constant 128 : i32
    %dma_start3A_31 = arith.constant 0 : i32
    %dma_start3A_32 = tpu.memref_slice %arg8[%dma_start3A_30, %dma_start3A_31] : memref<200x128xf32, #tpu.memory_space<vmem>> -> memref<72x128xf32, #tpu.memory_space<vmem>>
    %dma_start3A_33 = arith.constant 128 : i32
    %dma_start3A_34 = tpu.memref_slice %arg6[%dma_start3A_33] : memref<200xi32, #tpu.memory_space<vmem>> -> memref<72xi32, #tpu.memory_space<vmem>>
    %dma_start3A_35 = arith.constant 0 : i32
    %dma_start3A_36 = arith.constant 0 : i32
    %dma_start3A_37 = tpu.memref_slice %arg5[%dma_start3A_35, %dma_start3A_36] : memref<5x128xf32, #tpu.memory_space<vmem_shared>> -> memref<5x128xf32, #tpu.memory_space<vmem_shared>>
    tpu.enqueue_indirect_dma source(%dma_start3A_37 : memref<5x128xf32, #tpu.memory_space<vmem_shared>>) target(%dma_start3A_32 : memref<72x128xf32, #tpu.memory_space<vmem>>) offsets(%dma_start3A_34 : memref<72xi32, #tpu.memory_space<vmem>>) semaphore(%arg10 : memref<!tpu.dma_semaphore, #tpu.memory_space<semaphore_mem>>)
    %dma_wait3A_38 = arith.constant 0 : i32
    %dma_wait3A_39 = arith.constant 0 : i32
    %dma_wait3A_40 = tpu.memref_slice %arg8[%dma_wait3A_38, %dma_wait3A_39] : memref<200x128xf32, #tpu.memory_space<vmem>> -> memref<128x128xf32, #tpu.memory_space<vmem>>
    %dma_wait3A_41 = arith.constant 0 : i32
    %dma_wait3A_42 = tpu.memref_slice %arg6[%dma_wait3A_41] : memref<200xi32, #tpu.memory_space<vmem>> -> memref<128xi32, #tpu.memory_space<vmem>>
    %dma_wait3A_43 = arith.constant 0 : i32
    %dma_wait3A_44 = arith.constant 0 : i32
    %dma_wait3A_45 = tpu.memref_slice %arg5[%dma_wait3A_43, %dma_wait3A_44] : memref<5x128xf32, #tpu.memory_space<vmem_shared>> -> memref<5x128xf32, #tpu.memory_space<vmem_shared>>
    tpu.wait_indirect_dma semaphore(%arg10 : memref<!tpu.dma_semaphore, #tpu.memory_space<semaphore_mem>>) src(%dma_wait3A_45 : memref<5x128xf32, #tpu.memory_space<vmem_shared>>) dst(%dma_wait3A_40 : memref<128x128xf32, #tpu.memory_space<vmem>>)
    %dma_wait3A_46 = arith.constant 128 : i32
    %dma_wait3A_47 = arith.constant 0 : i32
    %dma_wait3A_48 = tpu.memref_slice %arg8[%dma_wait3A_46, %dma_wait3A_47] : memref<200x128xf32, #tpu.memory_space<vmem>> -> memref<72x128xf32, #tpu.memory_space<vmem>>
    %dma_wait3A_49 = arith.constant 128 : i32
    %dma_wait3A_50 = tpu.memref_slice %arg6[%dma_wait3A_49] : memref<200xi32, #tpu.memory_space<vmem>> -> memref<72xi32, #tpu.memory_space<vmem>>
    %dma_wait3A_51 = arith.constant 0 : i32
    %dma_wait3A_52 = arith.constant 0 : i32
    %dma_wait3A_53 = tpu.memref_slice %arg5[%dma_wait3A_51, %dma_wait3A_52] : memref<5x128xf32, #tpu.memory_space<vmem_shared>> -> memref<5x128xf32, #tpu.memory_space<vmem_shared>>
    tpu.wait_indirect_dma semaphore(%arg10 : memref<!tpu.dma_semaphore, #tpu.memory_space<semaphore_mem>>) src(%dma_wait3A_53 : memref<5x128xf32, #tpu.memory_space<vmem_shared>>) dst(%dma_wait3A_48 : memref<72x128xf32, #tpu.memory_space<vmem>>)
    %add3A_54 = arith.constant 24800 : i32
    %add3A_55 = arith.addi %mul3A_2, %add3A_54 : i32
    %dma_start3A_56 = arith.constant 0 : i32
    %dma_start3A_57 = tpu.memref_slice %arg4[%add3A_55, %dma_start3A_56] : memref<800000x128xf32, #tpu.memory_space<hbm>> -> memref<200x128xf32, #tpu.memory_space<hbm>>
    %dma_start3A_58 = arith.constant 0 : i32
    %dma_start3A_59 = tpu.memref_slice %arg4[%add3A_55, %dma_start3A_58] : memref<800000x128xf32, #tpu.memory_space<hbm>> -> memref<200x128xf32, #tpu.memory_space<hbm>>
    tpu.enqueue_dma source(%arg8 : memref<200x128xf32, #tpu.memory_space<vmem>>) target(%dma_start3A_59 : memref<200x128xf32, #tpu.memory_space<hbm>>) target_semaphore(%arg12 : memref<!tpu.dma_semaphore, #tpu.memory_space<semaphore_mem>>)
    %add3A_60 = arith.constant 24800 : i32
    %add3A_61 = arith.addi %mul3A_2, %add3A_60 : i32
    %dma_wait3A_62 = arith.constant 0 : i32
    %dma_wait3A_63 = tpu.memref_slice %arg4[%add3A_61, %dma_wait3A_62] : memref<800000x128xf32, #tpu.memory_space<hbm>> -> memref<200x128xf32, #tpu.memory_space<hbm>>
    %dma_wait3A_64 = arith.constant 0 : i32
    %dma_wait3A_65 = tpu.memref_slice %arg4[%add3A_61, %dma_wait3A_64] : memref<800000x128xf32, #tpu.memory_space<hbm>> -> memref<200x128xf32, #tpu.memory_space<hbm>>
    tpu.wait_dma2 semaphore(%arg12 : memref<!tpu.dma_semaphore, #tpu.memory_space<semaphore_mem>>) src(%arg8 : memref<200x128xf32, #tpu.memory_space<vmem>>) dst(%dma_wait3A_65 : memref<200x128xf32, #tpu.memory_space<hbm>>)
    return
  }
}

</mosaic_0001>

<sc_bundles>
// kernel: kernel.3.cloned.1.call-start
scs
__scs_entry_jumppad:
0x0: {  	(pc) =	sbr.rel $0x88, $3  }
0x1: {  	(tag) =	ssettag $0x0;
	lr =	simm.s32 $0x1  }
0x2: {  	[smem:$0x3F9F] =	sst lr;
	_ =	strace $0xD0000000  }
0x3: {  	_ = 	snop  }
0x4: {  	_ = 	snop  }
0x5: {  	_ = 	snop  }
0x6: {  	_ = 	snop  }
0x7: {  	_ = 	snop  }
__scs_overlays_trampoline_lowered:
0x8: {  	[smem:$0x3FAE] =	sst s0  }
0x9: {  	[smem:$0x3FAF] =	sst s1  }
0xa: {  	[smem:$0x3FB0] =	sst s2  }
0xb: {  	[smem:$0x3FB1] =	sst s3  }
0xc: {  	[smem:$0x3FB2] =	sst s4  }
0xd: {  	[smem:$0x3FB3] =	sst s5  }
0xe: {  	[smem:$0x3FB4] =	sst s6  }
0xf: {  	[smem:$0x3FB5] =	sst s7  }
0x10: {  	[smem:$0x3FB6] =	sst s8  }
0x11: {  	[smem:$0x3FB7] =	sst s9;
	s0 =	simm.s32 @!p0 $0x0  }
0x12: {  	s1 =	sld [smem:$0x3F9D];
	s0 =	simm.s32 @p0 $0x1  }
0x13: {  	[smem:$0x3FB8] =	sst s0;
	s0 =	simm.s32 @!p1 $0x0  }
0x14: {  	s2 =	sld [smem:$0x3F9C];
	s0 =	simm.s32 @p1 $0x1  }
0x15: {  	[smem:$0x3FB9] =	sst s0;
	s0 =	simm.s32 @!p2 $0x0  }
0x16: {  	s3 =	sld [smem:$0x3FDB];
	s0 =	simm.s32 @p2 $0x1  }
0x17: {  	s4 =	simm.s32 $0x1BF5;
	[smem:$0x3FBB] =	sst s0  }
0x18: {  	s0 =	sld [smem:$0x3F9E];
	_ =	swait.ge [sflag:s4], $0x0  }
0x19: {  	s7 =	sld [smem:$0x3F9F]  }
0x1a: {  	s8 =	sadd.s32 $0xFFFFE003, lr  }
0x1b: {  	s9 =	sadd.s32 $0xFFFFFEF7, lr;
	s5 =	simm.s32 $0xFFFFFFFF;
	p2 =	slt.u32 s8, $0xFFFFF086  }
0x1c: {  	p1 =	slt.u32 s9, $0xF7A;
	s5 =	simm.s32 @!p2 $0x0  }
0x1d: {  	s5 =	simm.s32 @p1 $0x1;
	p0 =	seq.s32 s7, s2  }
0x1e: {  	s7 =	smul.u32 @!p0 $0xF7A, s2;
	p2 =	seq.s32 @!p0 s5, $0x0  }
0x1f: {  	s9 =	smul.u32 $0xF7A, s1;
	s8 =	simm.s32 @!p0 $0x1BF5;
	p2 =	por !p2, p0  }
0x20: {  	[sflag:s8] =	ssyncset.s32 @!p0 $0xFFFFF086;
	s6 =	sadd.s32 @!p0 s3, s7;
	s7 =	simm.s32 @!p0 $0x108  }
0x21: {  	s3 =	sadd.s32 s3, s9;
	s6 =	sadd.s32 @!p0 $0x88, s6;
	s7 =	simm.s32 @p2 $0x1082  }
0x22: {  	[simem:s7], [sflag:s8] =	dma.local @!p0 [hbm:s6], $0xF7A  }
0x23: {  	s9 =	sor.u32 $0xD0000000, s2;
	s6 =	simm.s32 $0x108;
	_ =	swait.ge @!p0 [sflag:s8], $0x0  }
0x24: {  	s3 =	sadd.s32 $0x88, s3;
	s6 =	simm.s32 @!p1 $0x1082;
	[sflag:s4] =	ssyncset.s32 $0xFFFFF086  }
0x25: {  	[simem:s6], [sflag:s4] =	dma.local [hbm:s3], $0xF7A  }
0x26: {  	[smem:$0x3F9F] =	sst s1;
	(tag) =	ssettag s2;
	_ =	strace s9  }
0x27: {  	s1 =	sld [smem:$0x3FAF]  }
0x28: {  	s2 =	sld [smem:$0x3FB0]  }
0x29: {  	s4 =	sld [smem:$0x3FB2]  }
0x2a: {  	p0 =	seq.s32 s5, $0x0;
	s5 =	sld [smem:$0x3FB3]  }
0x2b: {  	s6 =	sld [smem:$0x3FB4]  }
0x2c: {  	s7 =	sld [smem:$0x3FB5]  }
0x2d: {  	s3 =	simm.s32 $0x108;
	s8 =	sld [smem:$0x3FB6]  }
0x2e: {  	s3 =	simm.s32 @!p0 $0x1082;
	s9 =	sld [smem:$0x3FB7]  }
0x2f: {  	lr =	sadd.s32 s0, s3;
	s0 =	sld [smem:$0x3FAE]  }
0x30: {  	s3 =	sld [smem:$0x3FB1]  }
0x31: {  	[smem:$0x3FBA] =	sst s10  }
0x32: {  	s10 =	sld [smem:$0x3FB8];
	_ =	sdelay $0x3  }
0x33: {  	p0 =	seq.s32 s10, $0x1;
	s10 =	sld [smem:$0x3FBA];
	_ =	sdelay $0x3  }
0x34: {  	[smem:$0x3FBA] =	sst s10  }
0x35: {  	s10 =	sld [smem:$0x3FB9];
	_ =	sdelay $0x3  }
0x36: {  	p1 =	seq.s32 s10, $0x1;
	s10 =	sld [smem:$0x3FBA];
	_ =	sdelay $0x3  }
0x37: {  	[smem:$0x3FBA] =	sst s10  }
0x38: {  	s10 =	sld [smem:$0x3FBB]  }
0x39: {  	_ = 	snop;
	(pc) =	sbr.ind lr, $3  }
0x3a: {  	_ = 	snop  }
0x3b: {  	_ = 	snop  }
0x3c: {  	p2 =	seq.s32 s10, $0x1;
	s10 =	sld [smem:$0x3FBA]  }
0x3d: {  	_ =	shalt  }
0x3e: {  	_ =	shalt  }
0x3f: {  	_ =	shalt  }
0x40: {  	_ =	shalt  }
0x41: {  	_ =	shalt  }
0x42: {  	_ =	shalt  }
0x43: {  	_ =	shalt  }
0x44: {  	_ =	shalt  }
0x45: {  	_ =	shalt  }
0x46: {  	_ =	shalt  }
0x47: {  	_ =	shalt  }
0x48: {  	_ =	shalt  }
0x49: {  	_ =	shalt  }
0x4a: {  	_ =	shalt  }
0x4b: {  	_ =	shalt  }
0x4c: {  	_ =	shalt  }
0x4d: {  	_ =	shalt  }
0x4e: {  	_ =	shalt  }
0x4f: {  	_ =	shalt  }
0x50: {  	_ =	shalt  }
0x51: {  	_ =	shalt  }
0x52: {  	_ =	shalt  }
0x53: {  	_ =	shalt  }
0x54: {  	_ =	shalt  }
0x55: {  	_ =	shalt  }
0x56: {  	_ =	shalt  }
0x57: {  	_ =	shalt  }
0x58: {  	_ =	shalt  }
0x59: {  	_ =	shalt  }
0x5a: {  	_ =	shalt  }
0x5b: {  	_ =	shalt  }
0x5c: {  	_ =	shalt  }
0x5d: {  	_ =	shalt  }
0x5e: {  	_ =	shalt  }
0x5f: {  	_ =	shalt  }
0x60: {  	_ =	shalt  }
0x61: {  	_ =	shalt  }
0x62: {  	_ =	shalt  }
0x63: {  	_ =	shalt  }
0x64: {  	_ =	shalt  }
0x65: {  	_ =	shalt  }
0x66: {  	_ =	shalt  }
0x67: {  	_ =	shalt  }
0x68: {  	_ =	shalt  }
0x69: {  	_ =	shalt  }
0x6a: {  	_ =	shalt  }
0x6b: {  	_ =	shalt  }
0x6c: {  	_ =	shalt  }
0x6d: {  	_ =	shalt  }
0x6e: {  	_ =	shalt  }
0x6f: {  	_ =	shalt  }
0x70: {  	_ =	shalt  }
0x71: {  	_ =	shalt  }
0x72: {  	_ =	shalt  }
0x73: {  	_ =	shalt  }
0x74: {  	_ =	shalt  }
0x75: {  	_ =	shalt  }
0x76: {  	_ =	shalt  }
0x77: {  	_ =	shalt  }
0x78: {  	_ =	shalt  }
0x79: {  	_ =	shalt  }
0x7a: {  	_ =	shalt  }
0x7b: {  	_ =	shalt  }
0x7c: {  	_ =	shalt  }
0x7d: {  	_ =	shalt  }
0x7e: {  	_ =	shalt  }
0x7f: {  	_ =	shalt  }
0x80: {  	_ =	shalt  }
0x81: {  	_ =	shalt  }
0x82: {  	_ =	shalt  }
0x83: {  	_ =	shalt  }
0x84: {  	_ =	shalt  }
0x85: {  	_ =	shalt  }
0x86: {  	_ =	shalt  }
0x87: {  	_ =	shalt  }
.Lfunc_end0:
.L_simem_size_0:
called_computation.1_lowered:
.L_overlay_start_0:
0x88: {  	s2 =	sld [smem:$0x3FD9]  }
0x89: {  	s3 =	sld [smem:$0x3FFE];
	_ =	sdelay $0x1  }
0x8a: {  	s1 =	srdreg.scid  }
0x8b: {  	s0 =	sand.u32 $0x1, s1  }
0x8c: {  	s17 =	sshll.u32 s0, $0xA;
	s2 =	sadd.s32 s3, s2  }
0x8d: {  	s2 =	sadd.s32 s2, s17  }
0x8e: {  	[smem:$0x3FC6] =	sst s2  }
0x8f: {  	_ = 	snop  }
0x90: {  	s2 =	sld [smem:$0x3FC9]  }
0x91: {  	s18 =	sld [smem:$0x3FD0];
	(tm) =	ssettm $0x1  }
0x92: {  	s4 =	sld [smem:$0x3FFB];
	_ =	sdelay $0x3  }
0x93: {  	_ =	strace s4  }
0x94: {  	s4 =	sld [smem:$0x3FFC];
	_ =	sdelay $0x3  }
0x95: {  	_ =	strace s4  }
0x96: {  	s4 =	sld [smem:$0x3FFD];
	_ =	sdelay $0x3  }
0x97: {  	_ =	strace s4  }
0x98: {  	_ =	strace $0x8FFFFFFF  }
0x99: {  	s19 =	sld [smem:$0x3FDB];
	_ =	sdelay $0x1  }
0x9a: {  	s5 =	simm.s32 $_scs_section_size  }
0x9b: {  	s6 =	simm.s32 $_size__tile_overlayer_lowered;
	s7 =	simm.s32 $_tile_overlayer_lowered  }
0x9c: {  	s22 =	simm.s32 $0x1BFF;
	s21 =	sshll.u32 s7, $0x1;
	s4 =	sadd.s32 s5, s19  }
0x9d: {  	s8 =	simm.s32 $0x0;
	s20 =	sshll.u32 s6, $0x1;
	s6 =	sadd.s32 s21, s4  }
0x9e: {  	[timem:s8], [sflag:s22] =	dma.local [hbm:s6], s20  }
0x9f: {  	_ =	swait.ge [sflag:s22], s20  }
0xa0: {  	s5 =	ssub.s32 $0x0, s20;
	[sflag:s22] =	ssyncset.done $0x0  }
0xa1: {  	[sflag:s22] =	ssyncadd.s32 s5;
	_ =	sdelay $0x1  }
0xa2: {  	s23 =	simm.s32 $0x1B8B  }
0xa3: {  	_ =	swait.ge [sflag:s23], $0x1  }
0xa4: {  	[sflag:s23] =	ssyncset.done $0x0  }
0xa5: {  	s25 =	simm.s32 $0x1B8E;
	s24 =	sld [smem:$0x3FFE];
	[sflag:s23] =	ssyncadd.s32 $0xFFFFFFFF  }
0xa6: {  	s26 =	simm.s32 $execute0_lowered;
	[smem:$0x3FD2] =	sst s25  }
0xa7: {  	s6 =	sshll.u32 s26, $0x1;
	_ =	strace $0x80000046;
	[dreg:$0x1] =	wrdreg $0xFFFFFFFF  }
0xa8: {  	s28 =	simm.s32 $_size_execute0_lowered;
	s4 =	sadd.s32 s4, s6;
	[dreg:$0x0] =	wrdreg $0x0  }
0xa9: {  	s6 =	sshll.u32 s28, $0x1;
	[dreg:$0x2] =	wrdreg s4  }
0xaa: {  	[dreg:$0x3] =	wrdreg s6  }
0xab: {  	[dreg:$0x4] =	wrdreg $0xC0  }
0xac: {  	_ =	task [dreg:s8], $0x5FFFF  }
0xad: {  	[dreg:$0x1] =	wrdreg $0xFFFFFFFF  }
0xae: {  	[dreg:$0x0] =	wrdreg $0x60  }
0xaf: {  	[dreg:$0x2] =	wrdreg s2  }
0xb0: {  	[dreg:$0x3] =	wrdreg s18  }
0xb1: {  	[dreg:$0x4] =	wrdreg s24  }
0xb2: {  	[dreg:$0x5] =	wrdreg $0x0  }
0xb3: {  	[dreg:$0x6] =	wrdreg $0x9  }
0xb4: {  	_ =	task.clear_ibuf [dreg:s8], $0x7FFFF;
	_ =	strace $0x90000046  }
0xb5: {  	s29 =	simm.s32 $0x9;
	_ =	strace $0x80000048  }
0xb6: {  	_ =	swait.ge [sflag:s29], $0x1  }
0xb7: {  	[sflag:s29] =	ssyncadd.s32 $0xFFFFFFFF  }
0xb8: {  	_ =	strace $0x90000048  }
0xb9: {  	_ =	sfence  }
0xba: {  	s30 =	sld [smem:$0x0];
	_ =	sdelay $0x2  }
0xbb: {  	s31 =	sshll.u32 s1, $0xD;
	s1 =	sshrl.u32 s1, $0x2  }
0xbc: {  	s3 =	sand.u32 $0x4000, s31;
	s1 =	sadd.s32 s1, s30  }
0xbd: {  	s0 =	sor.u32 s3, s0;
	s1 =	sshll.u32 s1, $0x11  }
0xbe: {  	s0 =	sor.u32 s1, s0  }
0xbf: {  	s0 =	sadd.s32 $0x8F2B, s0  }
0xc0: {  	[sflag:s0] =	ssyncadd.remote.s32 $0x1  }
0xc1: {  	_ =	sfence.sel $0xFFFF  }
0xc2: {  	[dreg:$0x0] =	wrdreg $0xFFFFFFFF;
	(pc) =	sbr.abs _section_cstart, $3  }
0xc3: {  	[dreg:$0x1] =	wrdreg $0xFFFFFFFF  }
0xc4: {  	_ =	task.clear_ibuf [dreg:s8], $0x2FFFF;
	_ =	strace $0x9FFFFFFF  }
0xc5: {  	(tm) =	ssettm $0x7FFFFFFF  }
tec
execute0_lowered:
.L_overlay_start_1:
0x0: {  	(tag) =	ssettag $0x1  }
0x1: {  	s0 =	rddreg [dreg:$0x0]  }
0x2: {  	s1 =	srdreg.scid;
	s2 =	rddreg [dreg:$0x2]  }
0x3: {  	s3 =	rddreg [dreg:$0x3];
	s5 =	stileid.u32;
	s4 =	simm.s32 $0x0  }
0x4: {  	s16 =	simm.s32 $0x28;
	s17 =	simm.s32 $0x5;
	s18 =	simm.s32 $0x80  }
0x5: {  	s19 =	simm.s32 $0x228;
	s28 =	simm.s32 $0x1;
	s29 =	simm.s32 $0x2  }
0x6: {  	s30 =	simm.s32 $0x3;
	s31 =	simm.s32 $0x4;
	s1 =	sand.u32 $0x1, s1  }
0x7: {  	[smem:$0x7FF] =	sst s4;
	s2 =	sadd.s32 $0x800, s2;
	s13 =	smul.u32 $0x61A8, s5  }
0x8: {  	s24 =	smul.u32 $0x61A80, s5;
	p0 =	sne.s32 s5, $0x0;
	s6 =	sshll.u32 s1, $0x4  }
0x9: {  	_ =	strace $0x80000047;
	s8 =	ssub.s32 $0x2, s1;
	s12 =	smul.u32 $0x61A80, s1  }
0xa: {  	s1 =	smul.u32 $0x61A800, s1;
	s6 =	sor.u32 s5, s6;
	s9 =	sshrl.u32 s8, $0x1  }
0xb: {  	s15 =	sshrl.u32 @!p0 s3, $0x3;
	s7 =	smul.u32 $0x61A8, s6;
	s8 =	ssub.s32 s8, s9  }
0xc: {  	s6 =	smul.u32 $0x61A80, s6;
	s12 =	sadd.s32 s13, s12;
	s1 =	sadd.s32 s1, s2  }
0xd: {  	s8 =	smax.u32 s8, $0x1;
	s13 =	sadd.s32 $0x258, s12;
	s1 =	sadd.s32 s24, s1  }
0xe: {  	s14 =	sadd.s32 $0x190, s12;
	s24 =	simm.s32 $0x6628;
	s10 =	sadd.s32 $0x60E0, s7  }
0xf: {  	s11 =	sadd.s32 $0xC8, s7;
	[dreg:$0x7] =	wrdreg s8;
	s7 =	sshrl.u32 s7, $0x3  }
0x10: {  	s26 =	sshrl.u32 s13, $0x3;
	s20 =	sshrl.u32 s10, $0x3;
	s21 =	sshll.u32 s10, $0x4  }
0x11: {  	s22 =	sshrl.u32 s11, $0x3;
	s7 =	sadd.s32 s0, s7;
	s10 =	sadd.s32 s2, s6  }
0x12: {  	s25 =	sshll.u32 s11, $0x4;
	s13 =	sadd.s32 s26, s0;
	s26 =	simm.s32 $0xA628  }
0x13: {  	s9 =	sadd.s32 s0, s20;
	[dreg:$0x8] =	wrdreg s7;
	s23 =	sadd.s32 s0, s22  }
0x14: {  	s11 =	sadd.s32 s2, s25;
	s7 =	sadd.s32 $0x2580, s1;
	s20 =	simm.s32 $0x48  }
0x15: {  	s22 =	simm.s32 $0x4228;
	s25 =	simm.s32 $0x1A8;
	[dreg:$0x5] =	wrdreg s9  }
0x16: {  	s9 =	sadd.s32 s2, s21;
	[dreg:$0x9] =	wrdreg s23;
	s21 =	simm.s32 $0xA8  }
0x17: {  	s23 =	simm.s32 $0x128;
	s2 =	simm.s32 $0x0;
	[dreg:$0x6] =	wrdreg s9  }
.LBB2_1:
0x18: {  	s1 =	simm.s32 @!p0 $0x1C05;
	s5 =	rddreg [dreg:$0x1]  }
0x19: {  	[spmem:s15], [sflag:s1] =	dma.local @!p0 [hbm:s5], $0x50  }
0x1a: {  	s1 =	simm.s32 @!p0 $0x5  }
0x1b: {  	_ =	swait.ge @!p0 [sflag:s1], $0x50  }
0x1c: {  	[sflag:s1] =	ssyncset.done @!p0 $0x0  }
0x1d: {  	[sflag:s1] =	ssyncadd.s32 @!p0 $0xFFFFFFB0  }
0x1e: {  	[bflag:$0x0] =	sbarrier.arrive $0xFFFF  }
0x1f: {  	s5 =	rddreg [dreg:$0x8]  }
0x20: {  	[tilespmem:s16], [sflag:$0x5] =	stream.linear.gather [hbm4b:s5+s4], $0xC8, $0x38;
	[tilespmem:$0xCA28] =	vst v63  }
0x21: {  	_ =	swait.ge [sflag:s17], $0xC8  }
0x22: {  	[sflag:s17] =	ssyncset.done $0x0  }
0x23: {  	[sflag:s17] =	ssyncadd.s32 $0xFFFFFF38  }
0x24: {  	[tilespmem:s19], [sflag:$0x1] =	stream.indirect.gather [spmem:s3], $0x80, s16, s18, $0xb8;
	[tilespmem:$0xCA28] =	vst v63  }
0x25: {  	_ = 	snop  }
0x26: {  	[tilespmem:s22], [sflag:$0x1] =	stream.indirect.gather [spmem:s3], $0x80, s21, s20, $0xb8;
	[tilespmem:$0xCA28] =	vst v63  }
0x27: {  	s6 =	rddreg [dreg:$0x9]  }
0x28: {  	[tilespmem:s23], [sflag:$0x5] =	stream.linear.gather [hbm4b:s6+s4], $0xC8, $0x38;
	[tilespmem:$0xCA28] =	vst v63  }
0x29: {  	_ =	swait.ge [sflag:s17], $0xC8  }
0x2a: {  	[sflag:s17] =	ssyncset.done $0x0  }
0x2b: {  	[sflag:s17] =	ssyncadd.s32 $0xFFFFFF38  }
0x2c: {  	[tilespmem:s24], [sflag:$0x2] =	stream.indirect.gather [spmem:s3], $0x80, s23, s18, $0xb8;
	[tilespmem:$0xCA28] =	vst v63  }
0x2d: {  	_ = 	snop  }
0x2e: {  	[tilespmem:s26], [sflag:$0x2] =	stream.indirect.gather [spmem:s3], $0x80, s25, s20, $0xb8;
	[tilespmem:$0xCA28] =	vst v63  }
0x2f: {  	_ =	swait.ge [sflag:s28], $0x4000  }
0x30: {  	[sflag:s28] =	ssyncset.done $0x0  }
0x31: {  	[sflag:s28] =	ssyncadd.s32 $0xFFFFC000  }
0x32: {  	_ =	swait.ge [sflag:s28], $0x2400  }
0x33: {  	[sflag:s28] =	ssyncset.done $0x0  }
0x34: {  	[sflag:s28] =	ssyncadd.s32 $0xFFFFDC00  }
0x35: {  	[hbm4b:s10+s4] =	stream.linear.scatter [tilespmem:s19], [sflag:$0x3], $0x6400, $0x38;
	[tilespmem:$0xCA28] =	vst v63  }
0x36: {  	_ =	swait.ge [sflag:s29], $0x4000  }
0x37: {  	[sflag:s29] =	ssyncset.done $0x0  }
0x38: {  	[sflag:s29] =	ssyncadd.s32 $0xFFFFC000  }
0x39: {  	_ =	swait.ge [sflag:s29], $0x2400  }
0x3a: {  	[sflag:s29] =	ssyncset.done $0x0  }
0x3b: {  	[sflag:s29] =	ssyncadd.s32 $0xFFFFDC00  }
0x3c: {  	[hbm4b:s11+s4] =	stream.linear.scatter [tilespmem:s24], [sflag:$0x4], $0x6400, $0x38;
	[tilespmem:$0xCA28] =	vst v63  }
0x3d: {  	_ =	swait.ge [sflag:s30], $0x6400  }
0x3e: {  	s8 =	sshrl.u32 s14, $0x3;
	[sflag:s30] =	ssyncset.done $0x0  }
0x3f: {  	s1 =	sadd.s32 s0, s8;
	[sflag:s30] =	ssyncadd.s32 $0xFFFF9C00  }
0x40: {  	[tilespmem:s16], [sflag:$0x5] =	stream.linear.gather [hbm4b:s1+s4], $0xC8, $0x38;
	[tilespmem:$0xCA28] =	vst v63  }
0x41: {  	_ =	swait.ge [sflag:s17], $0xC8  }
0x42: {  	[sflag:s17] =	ssyncset.done $0x0  }
0x43: {  	[sflag:s17] =	ssyncadd.s32 $0xFFFFFF38  }
0x44: {  	[tilespmem:s19], [sflag:$0x1] =	stream.indirect.gather [spmem:s3], $0x80, s16, s18, $0xb8;
	[tilespmem:$0xCA28] =	vst v63  }
0x45: {  	_ = 	snop  }
0x46: {  	[tilespmem:s22], [sflag:$0x1] =	stream.indirect.gather [spmem:s3], $0x80, s21, s20, $0xb8;
	[tilespmem:$0xCA28] =	vst v63  }
0x47: {  	_ =	swait.ge [sflag:s31], $0x6400  }
0x48: {  	[sflag:s31] =	ssyncset.done $0x0  }
0x49: {  	s9 =	sadd.s32 $0x0, s13;
	[sflag:s31] =	ssyncadd.s32 $0xFFFF9C00  }
0x4a: {  	[tilespmem:s23], [sflag:$0x5] =	stream.linear.gather [hbm4b:s9+s4], $0xC8, $0x38;
	[tilespmem:$0xCA28] =	vst v63  }
0x4b: {  	_ =	swait.ge [sflag:s17], $0xC8  }
0x4c: {  	[sflag:s17] =	ssyncset.done $0x0  }
0x4d: {  	[sflag:s17] =	ssyncadd.s32 $0xFFFFFF38  }
0x4e: {  	[tilespmem:s24], [sflag:$0x2] =	stream.indirect.gather [spmem:s3], $0x80, s23, s18, $0xb8;
	[tilespmem:$0xCA28] =	vst v63  }
0x4f: {  	_ = 	snop  }
0x50: {  	[tilespmem:s26], [sflag:$0x2] =	stream.indirect.gather [spmem:s3], $0x80, s25, s20, $0xb8;
	[tilespmem:$0xCA28] =	vst v63  }
0x51: {  	_ =	swait.ge [sflag:s28], $0x4000  }
0x52: {  	[sflag:s28] =	ssyncset.done $0x0  }
0x53: {  	[sflag:s28] =	ssyncadd.s32 $0xFFFFC000  }
0x54: {  	_ =	swait.ge [sflag:s28], $0x2400  }
0x55: {  	[sflag:s28] =	ssyncset.done $0x0  }
0x56: {  	s12 =	sadd.s32 $0xFFFFF380, s7;
	[sflag:s28] =	ssyncadd.s32 $0xFFFFDC00  }
0x57: {  	[hbm4b:s12+s4] =	stream.linear.scatter [tilespmem:s19], [sflag:$0x3], $0x6400, $0x38;
	[tilespmem:$0xCA28] =	vst v63  }
0x58: {  	_ =	swait.ge [sflag:s29], $0x4000  }
0x59: {  	[sflag:s29] =	ssyncset.done $0x0  }
0x5a: {  	[sflag:s29] =	ssyncadd.s32 $0xFFFFC000  }
0x5b: {  	_ =	swait.ge [sflag:s29], $0x2400  }
0x5c: {  	s5 =	sadd.s32 $0x1900, s7;
	s6 =	sadd.s32 $0x190, s14;
	[sflag:s29] =	ssyncset.done $0x0  }
0x5d: {  	s1 =	simm.s32 $0x32;
	s12 =	smov.u32 s7;
	[sflag:s29] =	ssyncadd.s32 $0xFFFFDC00  }
.LBB2_2:
0x5e: {  	[hbm4b:s12+s4] =	stream.linear.scatter [tilespmem:s24], [sflag:$0x4], $0x6400, $0x38;
	[tilespmem:$0xCA28] =	vst v63  }
0x5f: {  	s8 =	smov.u32 s1;
	s12 =	smov.u32 s5  }
0x60: {  	p1 =	sne.s32 s1, $0xBB8;
	s1 =	sadd.s32 $0x32, s1;
	_ =	swait.ge [sflag:s30], $0x6400  }
0x61: {  	s9 =	sshrl.u32 s6, $0x3;
	[sflag:s30] =	ssyncset.done $0x0  }
0x62: {  	s9 =	sadd.s32 s0, s9;
	[sflag:s30] =	ssyncadd.s32 $0xFFFF9C00  }
0x63: {  	[tilespmem:s16], [sflag:$0x5] =	stream.linear.gather [hbm4b:s9+s4], $0xC8, $0x38;
	[tilespmem:$0xCA28] =	vst v63  }
0x64: {  	_ =	swait.ge [sflag:s17], $0xC8  }
0x65: {  	[sflag:s17] =	ssyncset.done $0x0  }
0x66: {  	[sflag:s17] =	ssyncadd.s32 $0xFFFFFF38  }
0x67: {  	[tilespmem:s19], [sflag:$0x1] =	stream.indirect.gather [spmem:s3], $0x80, s16, s18, $0xb8;
	[tilespmem:$0xCA28] =	vst v63  }
0x68: {  	_ = 	snop  }
0x69: {  	[tilespmem:s22], [sflag:$0x1] =	stream.indirect.gather [spmem:s3], $0x80, s21, s20, $0xb8;
	[tilespmem:$0xCA28] =	vst v63  }
0x6a: {  	_ =	swait.ge [sflag:s31], $0x6400  }
0x6b: {  	[sflag:s31] =	ssyncset.done $0x0  }
0x6c: {  	s8 =	sadd.s32 s8, s13;
	[sflag:s31] =	ssyncadd.s32 $0xFFFF9C00  }
0x6d: {  	[tilespmem:s23], [sflag:$0x5] =	stream.linear.gather [hbm4b:s8+s4], $0xC8, $0x38;
	[tilespmem:$0xCA28] =	vst v63  }
0x6e: {  	_ =	swait.ge [sflag:s17], $0xC8  }
0x6f: {  	[sflag:s17] =	ssyncset.done $0x0  }
0x70: {  	[sflag:s17] =	ssyncadd.s32 $0xFFFFFF38  }
0x71: {  	[tilespmem:s24], [sflag:$0x2] =	stream.indirect.gather [spmem:s3], $0x80, s23, s18, $0xb8;
	[tilespmem:$0xCA28] =	vst v63  }
0x72: {  	_ = 	snop  }
0x73: {  	[tilespmem:s26], [sflag:$0x2] =	stream.indirect.gather [spmem:s3], $0x80, s25, s20, $0xb8;
	[tilespmem:$0xCA28] =	vst v63  }
0x74: {  	_ =	swait.ge [sflag:s28], $0x4000  }
0x75: {  	[sflag:s28] =	ssyncset.done $0x0  }
0x76: {  	[sflag:s28] =	ssyncadd.s32 $0xFFFFC000  }
0x77: {  	_ =	swait.ge [sflag:s28], $0x2400  }
0x78: {  	[sflag:s28] =	ssyncset.done $0x0  }
0x79: {  	s8 =	sadd.s32 $0xFFFFF380, s5;
	[sflag:s28] =	ssyncadd.s32 $0xFFFFDC00  }
0x7a: {  	[hbm4b:s8+s4] =	stream.linear.scatter [tilespmem:s19], [sflag:$0x3], $0x6400, $0x38;
	[tilespmem:$0xCA28] =	vst v63  }
0x7b: {  	_ =	swait.ge [sflag:s29], $0x4000  }
.Ltmp0:
0x7c: {  	[sflag:s29] =	ssyncset.done $0x0;
	(pc) =	sbr.rel @p1 .LBB2_2-.Ltmp0, $4  }
0x7d: {  	[sflag:s29] =	ssyncadd.s32 $0xFFFFC000  }
0x7e: {  	_ =	swait.ge [sflag:s29], $0x2400  }
0x7f: {  	[sflag:s29] =	ssyncset.done $0x0  }
0x80: {  	s6 =	sadd.s32 $0x190, s6;
	s5 =	sadd.s32 $0x1900, s5;
	[sflag:s29] =	ssyncadd.s32 $0xFFFFDC00  }
0x81: {  	[hbm4b:s12+s4] =	stream.linear.scatter [tilespmem:s24], [sflag:$0x4], $0x6400, $0x38;
	[tilespmem:$0xCA28] =	vst v63  }
0x82: {  	_ =	swait.ge [sflag:s30], $0x6400  }
0x83: {  	[sflag:s30] =	ssyncset.done $0x0  }
0x84: {  	[sflag:s30] =	ssyncadd.s32 $0xFFFF9C00  }
0x85: {  	_ =	swait.ge [sflag:s31], $0x6400  }
0x86: {  	[sflag:s31] =	ssyncset.done $0x0  }
0x87: {  	s1 =	rddreg [dreg:$0x5];
	[sflag:s31] =	ssyncadd.s32 $0xFFFF9C00  }
0x88: {  	[tilespmem:s16], [sflag:$0x5] =	stream.linear.gather [hbm4b:s1+s4], $0xC8, $0x38;
	[tilespmem:$0xCA28] =	vst v63  }
0x89: {  	_ =	swait.ge [sflag:s17], $0xC8  }
0x8a: {  	[sflag:s17] =	ssyncset.done $0x0  }
0x8b: {  	[sflag:s17] =	ssyncadd.s32 $0xFFFFFF38  }
0x8c: {  	[tilespmem:s19], [sflag:$0x1] =	stream.indirect.gather [spmem:s3], $0x80, s16, s18, $0xb8;
	[tilespmem:$0xCA28] =	vst v63  }
0x8d: {  	_ = 	snop  }
0x8e: {  	[tilespmem:s22], [sflag:$0x1] =	stream.indirect.gather [spmem:s3], $0x80, s21, s20, $0xb8;
	[tilespmem:$0xCA28] =	vst v63  }
0x8f: {  	_ =	swait.ge [sflag:s28], $0x4000  }
0x90: {  	[sflag:s28] =	ssyncset.done $0x0  }
0x91: {  	[sflag:s28] =	ssyncadd.s32 $0xFFFFC000  }
0x92: {  	_ =	swait.ge [sflag:s28], $0x2400  }
0x93: {  	[sflag:s28] =	ssyncset.done $0x0  }
0x94: {  	s9 =	rddreg [dreg:$0x6];
	[sflag:s28] =	ssyncadd.s32 $0xFFFFDC00  }
0x95: {  	[hbm4b:s9+s4] =	stream.linear.scatter [tilespmem:s19], [sflag:$0x3], $0x6400, $0x38;
	[tilespmem:$0xCA28] =	vst v63  }
0x96: {  	_ =	swait.ge [sflag:s30], $0x6400  }
0x97: {  	s2 =	sadd.s32 $0x1, s2;
	s12 =	rddreg [dreg:$0x7]  }
0x98: {  	p1 =	sne.s32 s2, s12  }
.Ltmp1:
0x99: {  	_ = 	snop;
	(pc) =	sbr.rel @p1 .LBB2_1-.Ltmp1, $3  }
0x9a: {  	_ =	sdelay $0x1  }
0x9b: {  	[sflag:s30] =	ssyncset.done $0x0  }
0x9c: {  	[sflag:s30] =	ssyncadd.s32 $0xFFFF9C00  }
0x9d: {  	_ =	sfence.sel $0x180000  }
0x9e: {  	[bflag:$0x0] =	sbarrier.arrive $0xFFFF  }
0x9f: {  	_ =	strace $0x90000047  }
0xa0: {  	[bflag:$0x2] =	sbarrier.arrive $0xFFFF  }
0xa1: {  	s0 =	rddreg [dreg:$0x4]  }
0xa2: {  	s0 =	sadd.s32 @!p0 $0x100000, s0  }
0xa3: {  	[sflag:s0] =	ssyncadd.tile.s32 @!p0 $0x1;
	_ =	shalt  }
.Lfunc_end2:
_tile_overlayer_lowered:
.L_overlay_start_2:
0xa4: {  	(tag) =	ssettag $0x2  }
0xa5: {  	s0 =	rddreg [dreg:$0x0];
	s2 =	stileid.u32  }
0xa6: {  	s1 =	rddreg [dreg:$0x1];
	p0 =	sne.s32 s2, $0x0  }
0xa7: {  	s3 =	rddreg [dreg:$0x2];
	[bflag:$0x3] =	sbarrier.arrive $0xFFFF;
	s2 =	simm.s32 @!p0 $0x1C05  }
0xa8: {  	[timem:s3], [sflag:s2] =	dma.local @!p0 [hbm:s0], s1  }
0xa9: {  	s0 =	simm.s32 @!p0 $0x5  }
0xaa: {  	_ =	swait.ge @!p0 [sflag:s0], s1  }
0xab: {  	s1 =	ssub.s32 @!p0 $0x0, s1;
	[sflag:s0] =	ssyncset.done @!p0 $0x0  }
0xac: {  	[sflag:s0] =	ssyncadd.s32 @!p0 s1  }
0xad: {  	[bflag:$0x3] =	sbarrier.arrive $0xFFFF  }
0xae: {  	_ =	shalt  }

// kernel: sparse-core-data-format-call.cloned.1.call-start
scs
called_computation_lowered:
.L_overlay_start_0:
0x0: {  	s2 =	sld [smem:$0x3FD9]  }
0x1: {  	s3 =	sld [smem:$0x3FFE];
	_ =	sdelay $0x1  }
0x2: {  	s1 =	srdreg.scid  }
0x3: {  	s0 =	sand.u32 $0x1, s1  }
0x4: {  	s18 =	sshll.u32 s0, $0xA;
	s2 =	sadd.s32 s3, s2  }
0x5: {  	s2 =	sadd.s32 s2, s18  }
0x6: {  	[smem:$0x3FC6] =	sst s2  }
0x7: {  	_ = 	snop  }
0x8: {  	s2 =	sld [smem:$0x3FD0];
	(tm) =	ssettm $0x1  }
0x9: {  	s19 =	sld [smem:$0x3FFB];
	_ =	sdelay $0x3  }
0xa: {  	_ =	strace s19  }
0xb: {  	s3 =	sld [smem:$0x3FFC];
	_ =	sdelay $0x3  }
0xc: {  	_ =	strace s3  }
0xd: {  	s3 =	sld [smem:$0x3FFD];
	_ =	sdelay $0x3  }
0xe: {  	_ =	strace s3  }
0xf: {  	_ =	strace $0x8FFFFFFF  }
0x10: {  	s20 =	sld [smem:$0x3FDB];
	_ =	sdelay $0x1  }
0x11: {  	s4 =	simm.s32 $_scs_section_size  }
0x12: {  	s5 =	simm.s32 $_size__tile_overlayer_lowered;
	s6 =	simm.s32 $_tile_overlayer_lowered  }
0x13: {  	s23 =	simm.s32 $0x1BFF;
	s22 =	sshll.u32 s6, $0x1;
	s3 =	sadd.s32 s4, s20  }
0x14: {  	s7 =	simm.s32 $0x0;
	s21 =	sshll.u32 s5, $0x1;
	s5 =	sadd.s32 s22, s3  }
0x15: {  	[timem:s7], [sflag:s23] =	dma.local [hbm:s5], s21  }
0x16: {  	_ =	swait.ge [sflag:s23], s21  }
0x17: {  	s4 =	ssub.s32 $0x0, s21;
	[sflag:s23] =	ssyncset.done $0x0  }
0x18: {  	[sflag:s23] =	ssyncadd.s32 s4;
	_ =	sdelay $0x1  }
0x19: {  	s24 =	simm.s32 $0x1B8B  }
0x1a: {  	_ =	swait.ge [sflag:s24], $0x1  }
0x1b: {  	[sflag:s24] =	ssyncset.done $0x0  }
0x1c: {  	s26 =	simm.s32 $0x1B8E;
	s25 =	sld [smem:$0x3FFE];
	[sflag:s24] =	ssyncadd.s32 $0xFFFFFFFF  }
0x1d: {  	s27 =	simm.s32 $execute0_lowered;
	[smem:$0x3FD2] =	sst s26  }
0x1e: {  	s5 =	sshll.u32 s27, $0x1;
	_ =	strace $0x80000049;
	[dreg:$0x1] =	wrdreg $0xFFFFFFFF  }
0x1f: {  	s28 =	simm.s32 $_size_execute0_lowered;
	s3 =	sadd.s32 s3, s5;
	[dreg:$0x0] =	wrdreg $0x0  }
0x20: {  	s5 =	sshll.u32 s28, $0x1;
	[dreg:$0x2] =	wrdreg s3  }
0x21: {  	[dreg:$0x3] =	wrdreg s5  }
0x22: {  	[dreg:$0x4] =	wrdreg $0xC0  }
0x23: {  	_ =	task [dreg:s7], $0x5FFFF  }
0x24: {  	[dreg:$0x1] =	wrdreg $0xFFFFFFFF  }
0x25: {  	[dreg:$0x0] =	wrdreg $0x60  }
0x26: {  	[dreg:$0x2] =	wrdreg s25  }
0x27: {  	[dreg:$0x3] =	wrdreg s2  }
0x28: {  	[dreg:$0x4] =	wrdreg $0x9  }
0x29: {  	_ =	task.clear_ibuf [dreg:s7], $0x5FFFF;
	_ =	strace $0x90000049  }
0x2a: {  	s29 =	simm.s32 $0x9;
	_ =	strace $0x8000004B  }
0x2b: {  	_ =	swait.ge [sflag:s29], $0x1  }
0x2c: {  	[sflag:s29] =	ssyncadd.s32 $0xFFFFFFFF  }
0x2d: {  	_ =	strace $0x9000004B  }
0x2e: {  	_ =	sfence  }
0x2f: {  	s30 =	sld [smem:$0x0];
	_ =	sdelay $0x2  }
0x30: {  	s31 =	sshll.u32 s1, $0xD;
	s1 =	sshrl.u32 s1, $0x2  }
0x31: {  	s3 =	sand.u32 $0x4000, s31;
	s1 =	sadd.s32 s1, s30  }
0x32: {  	s0 =	sor.u32 s3, s0;
	s1 =	sshll.u32 s1, $0x11  }
0x33: {  	s0 =	sor.u32 s1, s0  }
0x34: {  	s0 =	sadd.s32 $0x8F2B, s0  }
0x35: {  	[sflag:s0] =	ssyncadd.remote.s32 $0x1  }
0x36: {  	_ =	sfence.sel $0xFFFF  }
0x37: {  	[dreg:$0x0] =	wrdreg $0xFFFFFFFF;
	(pc) =	sbr.abs _section_cstart, $3  }
0x38: {  	[dreg:$0x1] =	wrdreg $0xFFFFFFFF  }
0x39: {  	_ =	task.clear_ibuf [dreg:s7], $0x2FFFF;
	_ =	strace $0x9FFFFFFF  }
0x3a: {  	(tm) =	ssettm $0x7FFFFFFF  }
0x3b: {  	_ =	shalt  }
tec
execute0_lowered:
.L_overlay_start_1:
0x0: {  	(tag) =	ssettag $0x1  }
0x1: {  	s0 =	srdreg.scid  }
0x2: {  	s1 =	sshll.u32 s0, $0x4  }
0x3: {  	s4 =	rddreg [dreg:$0x0];
	s0 =	stileid.u32;
	s1 =	sand.u32 $0x10, s1  }
0x4: {  	s2 =	rddreg [dreg:$0x1];
	s7 =	simm.s32 $0x1;
	s1 =	sor.u32 s0, s1  }
0x5: {  	s8 =	simm.s32 $0x2;
	s11 =	simm.s32 $0x0;
	s3 =	sshll.u32 s1, $0x7  }
0x6: {  	s10 =	simm.s32 $0x0;
	s4 =	sadd.s32 $0x800, s4;
	s6 =	ssub.s32 $0xC3500, s3  }
.Ltmp0:
0x7: {  	s1 =	rddreg [dreg:$0x2];
	s5 =	sand.u32 $0xF80, s6;
	(pc) =	sbr.rel .LBB1_1-.Ltmp0, $4  }
0x8: {  	_ =	strace $0x8000004A;
	s9 =	smov.u32 s3;
	p0 =	sne.s32 s5, $0x0  }
0x9: {  	s6 =	sshrl.u32 s6, $0xC;
	s5 =	simm.s32 $0x1;
	s7 =	simm.s32 @!p0 $0x0  }
0xa: {  	[sflag:s5] =	ssyncpa.u1 $0x0;
	p0 =	por $0x0, $0x0;
	s6 =	sadd.s32 s7, s6  }
0xb: {  	[sflag:s8] =	ssyncpa.u1 $0x0;
	s8 =	simm.s32 $0x61A800;
	s7 =	sadd.s32 $0x1, s6  }
.LBB1_4:
0xc: {  	s14 =	sshll.u32 s11, $0x3  }
0xd: {  	s14 =	sand.u32 $0xFFFFFC00, s14  }
0xe: {  	s15 =	sshrl.u32 s14, $0x8  }
0xf: {  	s15 =	smulhi.u32 $0x14F8B59, s15;
	_ =	sdelay $0x1  }
0x10: {  	s15 =	sshrl.u32 s15, $0x4  }
0x11: {  	s28 =	sand.u32 $0x7F, s11;
	s16 =	smul.u32 $0xC3500, s15  }
0x12: {  	s11 =	sor.u32 s28, s14  }
0x13: {  	s29 =	sand.u32 $0x3F, s15;
	s11 =	ssub.s32 s11, s16  }
0x14: {  	[tilespmem:s13+$0x810 ss:$0x81] =	vst.msk $0xffff, v2;
	s14 =	smul.u32 $0x186A0, s29;
	s30 =	sshrl.u32 s11, $0x3;
	s11 =	sand.u32 $0x7, s11  }
0x15: {  	[tilespmem:s13+$0x1020 ss:$0x81] =	vst.msk $0xffff, v0;
	s15 =	sadd.s32 s2, s30;
	s11 =	sshll.u32 s11, $0x12  }
0x16: {  	[tilespmem:s13+$0x0 ss:$0x81] =	vst.msk $0xffff, v1;
	s31 =	sadd.s32 s14, s15;
	s11 =	sor.u32 $0x400, s11  }
0x17: {  	[hbm4b:s31+s11] =	stream.strided.scatter [tilespmem:s12], [sflag:$0x2], $0x2000, s8, s11, $0x20;
	[tilespmem:$0x8080] =	vst v63  }
.LBB1_5:
0x18: {  	s13 =	sadd.s32 $0x1000, s9  }
0x19: {  	p2 =	sgt.s32 s13, $0xC34FF  }
0x1a: {  	s13 =	smov.u32 @p2 s3;
	p2 =	sne.s32 s10, s7  }
.Ltmp1:
0x1b: {  	p1 =	slt.u32 s10, $0x2;
	(pc) =	sbr.rel @!p2 .LBB1_6-.Ltmp1, $4  }
0x1c: {  	s12 =	simm.s32 @!p1 $0x2  }
0x1d: {  	s14 =	sadd.s32 $0x1, s10;
	_ =	swait.ge @!p1 [sflag:s12], $0x2000  }
0x1e: {  	s11 =	smov.u32 s9;
	p0 =	por !p0, !p0;
	[sflag:s12] =	ssyncset.done @!p1 $0x0  }
0x1f: {  	s10 =	smov.u32 s14;
	s9 =	smov.u32 s13;
	[sflag:s12] =	ssyncadd.s32 @!p1 $0xFFFFE000  }
.LBB1_1:
0x20: {  	p1 =	sge.u32 s10, s6  }
0x21: {  	s12 =	sand.u32 @!p1 $0x1FFFFFF, s9  }
0x22: {  	s13 =	smulhi.u32 @!p1 $0x14F8B59, s12;
	_ =	sdelay $0x1  }
0x23: {  	s13 =	sshrl.u32 @!p1 s13, $0xC  }
0x24: {  	s13 =	smul.u32 @!p1 $0xC3500, s13;
	_ =	sdelay $0x1  }
0x25: {  	s31 =	sadd.s32 $0xFFFFFFFF, s10;
	s14 =	sxor.u32 @!p1 $0xFFFFFFFF, s10;
	s12 =	ssub.s32 @!p1 s12, s13  }
0x26: {  	s15 =	simm.s32 @!p1 $0x80;
	s14 =	sshll.u32 @!p1 s14, $0xD;
	s12 =	sshll.u32 @!p1 s12, $0x4  }
0x27: {  	s13 =	sand.u32 @!p1 $0x2000, s14;
	s14 =	simm.s32 @!p1 $0x40;
	s12 =	sadd.s32 @!p1 s4, s12  }
0x28: {  	[tilespmem:s13], [sflag:$0x1] =	stream.strided.gather @!p1 [hbm4b:s12+s14], $0x2000, s15, s14, $0x38;
	[tilespmem:$0x8080] =	vst v63  }
0x29: {  	p1 =	sge.u32 s31, s6  }
.Ltmp2:
0x2a: {  	_ = 	snop;
	(pc) =	sbr.rel @p1 .LBB1_5-.Ltmp2, $1  }
0x2b: {  	_ =	sdelay $0x3  }
0x2c: {  	s12 =	simm.s32 $0x1  }
0x2d: {  	_ =	swait.ge [sflag:s5], $0x2000;
	s12 =	simm.s32 @!p0 $0x0  }
0x2e: {  	[sflag:s5] =	ssyncset.done $0x0;
	s13 =	sshll.u32 s12, $0xD  }
0x2f: {  	[sflag:s5] =	ssyncadd.s32 $0xFFFFE000;
	s16 =	sor.u32 $0x20, s13  }
0x30: {  	s12 =	smul.u32 $0x8100, s12;
	v3 =	vld [tilespmem:s16+$0x10]  }
0x31: {  	s30 =	sand.u32 $0x1, s10;
	v2 =	vld [tilespmem:s16+$0xFFFFFFF0]  }
0x32: {  	s13 =	smul.u32 $0x8100, s30;
	s12 =	sshrl.u32 s12, $0x2;
	v0 =	vld [tilespmem:s16+$0x0]  }
0x33: {  	v1 =	vld [tilespmem:s16+$0xFFFFFFE0];
	s14 =	sor.u32 $0x4000, s12  }
0x34: {  	s31 =	sshrl.u32 s13, $0x2;
	s13 =	sadd.s32 $0x0, s14  }
0x35: {  	s15 =	simm.s32 $0x4;
	s16 =	sadd.s32 $0x40, s16;
	s12 =	sor.u32 $0x4000, s31;
	[tilespmem:s13+$0x1830 ss:$0x81] =	vst.msk $0xffff, v3  }
.LBB1_3:
0x36: {  	v3 =	vld [tilespmem:s16+$0x10];
	p1 =	sne.s32 s15, $0x1FC;
	[tilespmem:s13+$0x810 ss:$0x81] =	vst.msk $0xffff, v2;
	s17 =	smov.u32 s15;
	s15 =	sadd.s32 $0x4, s15  }
.Ltmp3:
0x37: {  	v2 =	vld [tilespmem:s16+$0xFFFFFFF0];
	[tilespmem:s13+$0x1020 ss:$0x81] =	vst.msk $0xffff, v0;
	(pc) =	sbr.rel @p1 .LBB1_3-.Ltmp3, $4  }
0x38: {  	v0 =	vld [tilespmem:s16+$0x0];
	[tilespmem:s13+$0x0 ss:$0x81] =	vst.msk $0xffff, v1  }
0x39: {  	s13 =	sshra.s32 s17, $0x2;
	v1 =	vld [tilespmem:s16+$0xFFFFFFE0]  }
0x3a: {  	s13 =	sadd.s32 s13, s14  }
0x3b: {  	s16 =	sadd.s32 $0x40, s16;
	[tilespmem:s13+$0x1830 ss:$0x81] =	vst.msk $0xffff, v3  }
.Ltmp4:
0x3c: {  	_ = 	snop;
	(pc) =	sbr.rel .LBB1_4-.Ltmp4, $1  }
0x3d: {  	_ =	sdelay $0x3  }
.LBB1_6:
0x3e: {  	_ =	sfence.sel $0x180000  }
0x3f: {  	s2 =	simm.s32 $0x1;
	[bflag:$0x0] =	sbarrier.arrive $0xFFFF  }
0x40: {  	s31 =	simm.s32 $0x2;
	[sflag:s2] =	ssyncpa.u1 $0x1  }
0x41: {  	[sflag:s31] =	ssyncpa.u1 $0x1  }
0x42: {  	p0 =	sne.s32 s0, $0x0;
	_ =	strace $0x9000004A  }
0x43: {  	s0 =	sadd.s32 @!p0 $0x100000, s1;
	[bflag:$0x2] =	sbarrier.arrive $0xFFFF  }
0x44: {  	[sflag:s0] =	ssyncadd.tile.s32 @!p0 $0x1;
	_ =	shalt  }
.Lfunc_end1:
_tile_overlayer_lowered:
.L_overlay_start_2:
0x45: {  	(tag) =	ssettag $0x2  }
0x46: {  	s0 =	rddreg [dreg:$0x0];
	s2 =	stileid.u32  }
0x47: {  	s1 =	rddreg [dreg:$0x1];
	p0 =	sne.s32 s2, $0x0  }
0x48: {  	s3 =	rddreg [dreg:$0x2];
	[bflag:$0x3] =	sbarrier.arrive $0xFFFF;
	s2 =	simm.s32 @!p0 $0x1C01  }
0x49: {  	[timem:s3], [sflag:s2] =	dma.local @!p0 [hbm:s0], s1  }
0x4a: {  	s0 =	simm.s32 @!p0 $0x1  }
0x4b: {  	_ =	swait.ge @!p0 [sflag:s0], s1  }
0x4c: {  	s1 =	ssub.s32 @!p0 $0x0, s1;
	[sflag:s0] =	ssyncset.done @!p0 $0x0  }
0x4d: {  	[sflag:s0] =	ssyncadd.s32 @!p0 s1  }
0x4e: {  	[bflag:$0x3] =	sbarrier.arrive $0xFFFF  }
0x4f: {  	_ =	shalt  }

</sc_bundles>
